<compile_context>
chip_gen: v7x
topology: tpu7x:2x2x1
jax: 0.10.2.dev20260603
libtpu: 0.0.44.dev20260713+nightly
codegen_flags: <defaults>
</compile_context>

<pallas_src>
import dataclasses
import functools

import jax
import jax.numpy as jnp
from jax import lax
from jax.experimental import pallas as pl
from jax.experimental.pallas import tpu as pltpu
from jax.experimental.pallas import tpu_sc as plsc

N_NODES = 10000
N_NODES_PAD = 10240
N_EDGES = 160000
NFEAT = 128
NHID = 128
NCLASS = 64
NUM_GRAPHS = 64
KAPPA = 0.9
N_ITER = 20

NODE_BLK = 1024
N_BLKS = 10

SC_CORES = 2
SC_SUBCORES = 16
NW = SC_CORES * SC_SUBCORES
EDGE_CHUNK = 128
N_CHUNKS = 40
N_EDGES_PAD = NW * N_CHUNKS * EDGE_CHUNK
ROWS_PER_SUB = N_NODES_PAD // SC_SUBCORES



def _proj_body(w_ref, o_ref):
    W = w_ref[...]
    absa = jnp.abs(W)
    s0 = jnp.sum(absa, axis=1, keepdims=True)
    lo = jnp.zeros_like(s0)
    hi = jnp.max(absa, axis=1, keepdims=True)

    def body(_, lohi):
        lo, hi = lohi
        mid = 0.5 * (lo + hi)
        g = jnp.sum(jnp.maximum(absa - mid, 0.0), axis=1, keepdims=True)
        pred = g > KAPPA
        return (jnp.where(pred, mid, lo), jnp.where(pred, hi, mid))

    lo, hi = lax.fori_loop(0, 48, body, (lo, hi))
    theta = 0.5 * (lo + hi)
    proj = jnp.sign(W) * jnp.maximum(absa - theta, 0.0)
    o_ref[...] = jnp.where(s0 > KAPPA, proj, W)


def _proj(W):
    return pl.pallas_call(
        _proj_body,
        out_shape=jax.ShapeDtypeStruct((NHID, NHID), jnp.float32),
    )(W)


def _emb_mm_body(f_ref, emb_ref, om_ref, o_ref):
    f = f_ref[0, 0, :]
    oh = (f[:, None] == lax.broadcasted_iota(jnp.int32, (NODE_BLK, 256), 1))
    emb = jnp.dot(oh.astype(jnp.float32), emb_ref[...],
                  preferred_element_type=jnp.float32)
    norm = jnp.sqrt(jnp.sum(emb * emb, axis=1, keepdims=True))
    scale = jnp.where(norm > 1.0, 1.0 / (norm + 1e-7), 1.0)
    x = emb * scale
    o_ref[...] = lax.dot_general(x, om_ref[...], (((1,), (1,)), ((), ())),
                                 preferred_element_type=jnp.float32)


def _emb_mm(feats3, emb_table, om):
    return pl.pallas_call(
        _emb_mm_body,
        grid=(N_BLKS,),
        in_specs=[
            pl.BlockSpec((1, 1, NODE_BLK), lambda i: (i, 0, 0)),
            pl.BlockSpec((256, NFEAT), lambda i: (0, 0)),
            pl.BlockSpec((NHID, NFEAT), lambda i: (0, 0)),
        ],
        out_specs=pl.BlockSpec((NODE_BLK, NHID), lambda i: (i, 0)),
        out_shape=jax.ShapeDtypeStruct((N_NODES_PAD, NHID), jnp.float32),
    )(feats3, emb_table, om)


def _mm_add_dual_body(z0_ref, z1_ref, m_ref, b_ref, y_ref):
    b = z0_ref[...] + z1_ref[...]
    b_ref[...] = b
    y_ref[...] = lax.dot_general(b, m_ref[...], (((1,), (1,)), ((), ())),
                                 preferred_element_type=jnp.float32)


def _mm_add_dual(z0, z1, m):
    nblk = pl.BlockSpec((NODE_BLK, NHID), lambda i: (i, 0))
    return pl.pallas_call(
        _mm_add_dual_body,
        grid=(N_BLKS,),
        in_specs=[nblk, nblk, pl.BlockSpec((NHID, NHID), lambda i: (0, 0))],
        out_specs=[nblk, nblk],
        out_shape=[jax.ShapeDtypeStruct((N_NODES_PAD, NHID), jnp.float32),
                   jax.ShapeDtypeStruct((N_NODES_PAD, NHID), jnp.float32)],
    )(z0, z1, m)


def _mm_relu_add_body(z0_ref, z1_ref, b_ref, m_ref, o_ref):
    x = jnp.maximum(z0_ref[...] + z1_ref[...] + b_ref[...], 0.0)
    o_ref[...] = lax.dot_general(x, m_ref[...], (((1,), (1,)), ((), ())),
                                 preferred_element_type=jnp.float32)


def _mm_relu_add(z0, z1, b, m):
    nblk = pl.BlockSpec((NODE_BLK, NHID), lambda i: (i, 0))
    return pl.pallas_call(
        _mm_relu_add_body,
        grid=(N_BLKS,),
        in_specs=[nblk, nblk, nblk,
                  pl.BlockSpec((NHID, NHID), lambda i: (0, 0))],
        out_specs=nblk,
        out_shape=jax.ShapeDtypeStruct((N_NODES_PAD, NHID), jnp.float32),
    )(z0, z1, b, m)


def _pool_head_body(z0_ref, z1_ref, b_ref, bat_ref, v0w_ref, v0b_ref,
                    v1w_ref, v1b_ref, o_ref, acc_ref):
    i = pl.program_id(0)

    @pl.when(i == 0)
    def _():
        acc_ref[...] = jnp.zeros_like(acc_ref)

    x = jnp.maximum(z0_ref[...] + z1_ref[...] + b_ref[...], 0.0)
    g = bat_ref[0, 0, :]
    oh = (g[None, :] == lax.broadcasted_iota(jnp.int32, (NUM_GRAPHS, NODE_BLK), 0))
    acc_ref[...] += jnp.dot(oh.astype(jnp.float32), x,
                            preferred_element_type=jnp.float32)

    @pl.when(i == N_BLKS - 1)
    def _():
        pooled = acc_ref[...]
        h = lax.dot_general(pooled, v0w_ref[...], (((1,), (1,)), ((), ())),
                            preferred_element_type=jnp.float32) + v0b_ref[...]
        h = jnp.maximum(h, 0.0)
        out = lax.dot_general(h, v1w_ref[...], (((1,), (1,)), ((), ())),
                              preferred_element_type=jnp.float32) + v1b_ref[...]
        m = jnp.max(out, axis=1, keepdims=True)
        lse = jnp.log(jnp.sum(jnp.exp(out - m), axis=1, keepdims=True)) + m
        o_ref[...] = out - lse


def _pool_head(z0, z1, b, bat3, v0w, v0b, v1w, v1b):
    nblk = pl.BlockSpec((NODE_BLK, NHID), lambda i: (i, 0))
    return pl.pallas_call(
        _pool_head_body,
        grid=(N_BLKS,),
        in_specs=[
            nblk, nblk, nblk,
            pl.BlockSpec((1, 1, NODE_BLK), lambda i: (i, 0, 0)),
            pl.BlockSpec((NHID, NHID), lambda i: (0, 0)),
            pl.BlockSpec((1, NHID), lambda i: (0, 0)),
            pl.BlockSpec((NCLASS, NHID), lambda i: (0, 0)),
            pl.BlockSpec((1, NCLASS), lambda i: (0, 0)),
        ],
        out_specs=pl.BlockSpec((NUM_GRAPHS, NCLASS), lambda i: (0, 0)),
        out_shape=jax.ShapeDtypeStruct((NUM_GRAPHS, NCLASS), jnp.float32),
        scratch_shapes=[pltpu.VMEM((NUM_GRAPHS, NHID), jnp.float32)],
    )(z0, z1, b, bat3, v0w, v0b, v1w, v1b)



@functools.cache
def _sc_mesh():
    return plsc.VectorSubcoreMesh(core_axis_name="c", subcore_axis_name="s")


@functools.cache
def _sc_params():
    cp = pltpu.CompilerParams()
    if "needs_layout_passes" in pltpu.CompilerParams.__dataclass_fields__:
        cp = dataclasses.replace(cp, needs_layout_passes=False)
    return cp


def _spmm_sc_body(y_hbm, src3_hbm, dst3_hbm, w3_hbm, out_hbm,
                  si_v, di_v, w_v, rows0, rows1, z_sh, sem_i, sem_g0, sem_g1):
    cid = lax.axis_index("c")
    sid = lax.axis_index("s")
    wid = cid * SC_SUBCORES + sid

    pltpu.async_copy(src3_hbm.at[wid], si_v, sem_i)
    pltpu.async_copy(dst3_hbm.at[wid], di_v, sem_i)
    pltpu.async_copy(w3_hbm.at[wid], w_v, sem_i)

    zv = jnp.zeros((16,), jnp.float32)

    @pl.loop(0, EDGE_CHUNK)
    def _(r):
        for j in range(NHID // 16):
            rows0[r, pl.ds(j * 16, 16)] = zv

    @pl.loop(0, ROWS_PER_SUB // EDGE_CHUNK)
    def _(i):
        pltpu.sync_copy(rows0,
                        z_sh.at[pl.ds(sid * ROWS_PER_SUB + i * EDGE_CHUNK,
                                      EDGE_CHUNK)])

    pltpu.make_async_copy(src3_hbm.at[wid], si_v, sem_i).wait()
    pltpu.make_async_copy(dst3_hbm.at[wid], di_v, sem_i).wait()
    pltpu.make_async_copy(w3_hbm.at[wid], w_v, sem_i).wait()
    plsc.subcore_barrier()

    def gather_start(ci, buf, sem):
        pass

    def gather_wait(buf, sem):
        pltpu.make_async_copy(y_hbm.at[si_v.at[0]], buf, sem).wait()

    def compute(ci, buf):
        @pl.loop(0, EDGE_CHUNK // 16)
        def _(g):
            wv = w_v[ci, pl.ds(g * 16, 16)]
            for e in range(16):
                wb = jnp.full((16,), wv[e], jnp.float32)
                row = g * 16 + e
                for j in range(NHID // 16):
                    buf[row, pl.ds(j * 16, 16)] = (
                        buf[row, pl.ds(j * 16, 16)] * wb)

    gather_start(0, rows0, sem_g0)
    gather_start(1, rows1, sem_g1)

    @pl.loop(0, N_CHUNKS // 2)
    def _(h):
        ci = h * 2

        @pl.when(ci + 2 < N_CHUNKS)
        def _():
            gather_start(ci + 2, rows0, sem_g0)


        @pl.when(ci + 3 < N_CHUNKS)
        def _():
            gather_start(ci + 3, rows1, sem_g1)

    plsc.subcore_barrier()
    pltpu.sync_copy(z_sh.at[pl.ds(sid * ROWS_PER_SUB, ROWS_PER_SUB)],
                    out_hbm.at[cid, pl.ds(sid * ROWS_PER_SUB, ROWS_PER_SUB)])


@jax.jit
def _spmm(y, src3, dst3, w3):
    k = pl.kernel(
        _spmm_sc_body,
        out_type=jax.ShapeDtypeStruct((SC_CORES, N_NODES_PAD, NHID), jnp.float32),
        mesh=_sc_mesh(),
        scratch_types=[
            pltpu.VMEM((N_CHUNKS, EDGE_CHUNK), jnp.int32),
            pltpu.VMEM((N_CHUNKS, EDGE_CHUNK), jnp.int32),
            pltpu.VMEM((N_CHUNKS, EDGE_CHUNK), jnp.float32),
            pltpu.VMEM((EDGE_CHUNK, NHID), jnp.float32),
            pltpu.VMEM((EDGE_CHUNK, NHID), jnp.float32),
            pltpu.VMEM_SHARED((N_NODES_PAD, NHID), jnp.float32),
            pltpu.SemaphoreType.DMA,
            pltpu.SemaphoreType.DMA,
            pltpu.SemaphoreType.DMA,
        ],
        compiler_params=_sc_params(),
    )
    return k(y, src3, dst3, w3)



def kernel(features, edge_index, edge_weight, batch, emb_table,
           W1, Om1, W2, Om2, W3, Om3, V0_w, V0_b, V1_w, V1_b):
    npad = N_NODES_PAD - N_NODES
    feats3 = jnp.pad(features.astype(jnp.int32), (0, npad)).reshape(
        N_BLKS, 1, NODE_BLK)
    bat3 = jnp.pad(batch.astype(jnp.int32), (0, npad),
                   constant_values=NUM_GRAPHS).reshape(N_BLKS, 1, NODE_BLK)
    pad = N_EDGES_PAD - N_EDGES
    srcp = jnp.pad(edge_index[0], (0, pad)).reshape(NW, N_CHUNKS, EDGE_CHUNK)
    dstp = jnp.pad(edge_index[1], (0, pad)).reshape(NW, N_CHUNKS, EDGE_CHUNK)
    wp = jnp.pad(edge_weight, (0, pad)).reshape(NW, N_CHUNKS, EDGE_CHUNK)
    v0b = V0_b.reshape(1, NHID)
    v1b = V1_b.reshape(1, NCLASS)

    def layer(S0, W):
        Wp = _proj(W)
        Zp = _spmm(S0, srcp, dstp, wp)
        B, Y = _mm_add_dual(Zp[0], Zp[1], Wp)

        def step(Y, _):
            Zp = _spmm(Y, srcp, dstp, wp)
            return _mm_relu_add(Zp[0], Zp[1], B, Wp), None

        Y, _ = lax.scan(step, Y, None, length=N_ITER - 1)
        Zp = _spmm(Y, srcp, dstp, wp)
        return Zp, B

    S0 = _emb_mm(feats3, emb_table, Om1)
    Zp, B = layer(S0, W1)
    S0 = _mm_relu_add(Zp[0], Zp[1], B, Om2)
    Zp, B = layer(S0, W2)
    S0 = _mm_relu_add(Zp[0], Zp[1], B, Om3)
    Zp, B = layer(S0, W3)
    return _pool_head(Zp[0], Zp[1], B, bat3, V0_w, v0b, V1_w, v1b)

# --- scband reference (transcript-rebuilt; emitter-appended) ---
"""Pipeline reference for scband-ignn-41996190220466 (READ-ONLY COPY).

The authoritative reference and input builder live on the scoring server;
editing this copy changes nothing except your own understanding.
"""

import jax, jax.numpy as jnp
import numpy as np

N_NODES = 10000
N_EDGES = 160000
NFEAT = 128
NHID = 128
NCLASS = 64
NUM_GRAPHS = 64
KAPPA = 0.9  # kappa / A_rho with A_rho forced to 1 in forward
N_ITER = 20  # fixed-point iterations (original caps at 300 with tol 3e-6; see notes)


def _proj_row(a, v):
    # Projection of one row onto the L1 ball of radius v (matches projection_norm_inf row loop)
    abs_a = jnp.abs(a)
    s0 = jnp.sum(abs_a)
    u = jnp.sort(abs_a)[::-1]
    css = jnp.cumsum(u)
    k = jnp.arange(1, a.shape[0] + 1, dtype=a.dtype)
    rho = jnp.sum((u - (css - v) / k) > 0)
    rho_c = jnp.maximum(rho, 1)
    theta = (css[rho_c - 1] - v) / rho_c.astype(a.dtype)
    proj = jnp.sign(a) * jnp.maximum(abs_a - theta, 0.0)
    return jnp.where(s0 > v, proj, a)


def projection_norm_inf(W, v):
    return jax.vmap(lambda r: _proj_row(r, jnp.asarray(v, W.dtype)))(W)


def spmm_At(edge_index, w, S):
    # computes A^T @ S for sparse A given by edges (row, col, w): out[c] += w * S[row]
    rows = edge_index[0]
    cols = edge_index[1]
    return jax.ops.segment_sum(w[:, None] * S[rows], cols, num_segments=N_NODES)


def implicit_layer(W, Om, x, edge_index, ew):
    # ImplicitGraph.forward with X_0=None, phi=relu, A_rho=1, A_orig=None
    Wp = projection_norm_inf(W, KAPPA)
    sup = Om @ x                       # Omega_1 @ U -> [m, n]
    B = spmm_At(edge_index, ew, sup.T).T  # (A^T (Om U)^T)^T = Om U A -> [m, n]

    def step(X, _):
        Xw = Wp @ X                    # W X
        S = spmm_At(edge_index, ew, Xw.T)  # A^T (W X)^T
        Xn = jax.nn.relu(S.T + B)      # phi(W X A + B)
        return Xn, None

    X, _ = jax.lax.scan(step, B, None, length=N_ITER)
    return X


def setup_inputs(seed: int = 0):
    key = jax.random.key(seed)
    ks = jax.random.split(key, 16)
    features = jax.random.randint(ks[0], (N_NODES,), 0, 256, dtype=jnp.int64 if jax.config.jax_enable_x64 else jnp.int32)
    edge_index = jax.random.randint(ks[1], (2, N_EDGES), 0, N_NODES, dtype=jnp.int32)
    # scale edge weights so row sums of A stay < 1 (normalized adjacency => contraction, as assumed by IGNN)
    edge_weight = jax.random.uniform(ks[2], (N_EDGES,), dtype=jnp.float32) / 16.0
    batch = jnp.sort(jax.random.randint(ks[3], (N_NODES,), 0, NUM_GRAPHS, dtype=jnp.int32))

    def unif(k, shape, fan):
        stdv = 1.0 / np.sqrt(fan)
        return jax.random.uniform(k, shape, jnp.float32, -stdv, stdv)

    emb_table = jax.random.normal(ks[4], (256, NFEAT), dtype=jnp.float32)
    W1 = unif(ks[5], (NHID, NHID), NHID)
    Om1 = unif(ks[6], (NHID, NFEAT), NFEAT)
    W2 = unif(ks[7], (NHID, NHID), NHID)
    Om2 = unif(ks[8], (NHID, NHID), NHID)
    W3 = unif(ks[9], (NHID, NHID), NHID)
    Om3 = unif(ks[10], (NHID, NHID), NHID)
    V0_w = unif(ks[11], (NHID, NHID), NHID)
    V0_b = unif(ks[12], (NHID,), NHID)
    V1_w = unif(ks[13], (NCLASS, NHID), NHID)
    V1_b = unif(ks[14], (NCLASS,), NHID)
    return {
        "features": features, "edge_index": edge_index, "edge_weight": edge_weight, "batch": batch,
        "emb_table": emb_table, "W1": W1, "Om1": Om1, "W2": W2, "Om2": Om2, "W3": W3, "Om3": Om3,
        "V0_w": V0_w, "V0_b": V0_b, "V1_w": V1_w, "V1_b": V1_b,
    }


def reference(features, edge_index, edge_weight, batch, emb_table, W1, Om1, W2, Om2, W3, Om3, V0_w, V0_b, V1_w, V1_b):
    # nn.Embedding with max_norm=1.0 renormalizes accessed rows to L2 norm <= 1
    emb = emb_table[features]
    norm = jnp.linalg.norm(emb, axis=1, keepdims=True)
    emb = emb * jnp.where(norm > 1.0, 1.0 / (norm + 1e-7), 1.0)
    x = emb.T                              # [nfeat, n]
    x = implicit_layer(W1, Om1, x, edge_index, edge_weight)
    x = implicit_layer(W2, Om2, x, edge_index, edge_weight)
    x = implicit_layer(W3, Om3, x, edge_index, edge_weight)
    x = x.T                                # [n, nhid]
    pooled = jax.ops.segment_sum(x, batch, num_segments=NUM_GRAPHS)  # global_add_pool
    h = jax.nn.relu(pooled @ V0_w.T + V0_b)
    # dropout is a no-op in eval mode
    out = h @ V1_w.T + V1_b
    return jax.nn.log_softmax(out, axis=1)

if __name__ == "__main__":
    import jax
    _d = setup_inputs()
    print(jax.jit(kernel)(*tuple(_d.values())))

</pallas_src>

<mosaic_0001>
#map = affine_map<(d0, d1) -> (0, 0)>
#map1 = affine_map<(d0, d1) -> (0, 0, 0)>
module attributes {stable_mosaic.version = 14 : i64} {
  func.func @_spmm_sc_body(%arg0: i32, %arg1: i32, %arg2: memref<10240x128xf32, #tpu.memory_space<hbm>>, %arg3: memref<32x40x128xi32, #tpu.memory_space<hbm>>, %arg4: memref<32x40x128xi32, #tpu.memory_space<hbm>>, %arg5: memref<32x40x128xf32, #tpu.memory_space<hbm>>, %arg6: memref<2x10240x128xf32, #tpu.memory_space<hbm>>, %arg7: memref<40x128xi32, #tpu.memory_space<vmem>>, %arg8: memref<40x128xi32, #tpu.memory_space<vmem>>, %arg9: memref<40x128xf32, #tpu.memory_space<vmem>>, %arg10: memref<128x128xf32, #tpu.memory_space<vmem>>, %arg11: memref<128x128xf32, #tpu.memory_space<vmem>>, %arg12: memref<10240x128xf32, #tpu.memory_space<vmem_shared>>, %arg13: memref<!tpu.dma_semaphore, #tpu.memory_space<semaphore_mem>>, %arg14: memref<!tpu.dma_semaphore, #tpu.memory_space<semaphore_mem>>, %arg15: memref<!tpu.dma_semaphore, #tpu.memory_space<semaphore_mem>>) attributes {dimension_semantics = [#tpu.dimension_semantics<core_parallel>, #tpu.dimension_semantics<subcore_parallel>], iteration_bounds = array<i64: 2, 16>, scalar_prefetch = 0 : i64, scratch_operands = 9 : i64, tpu.core_type = #tpu.core_type<sc_vector_subcore>, window_params = [{transform_indices = #map}, {transform_indices = #map1}, {transform_indices = #map1}, {transform_indices = #map1}, {transform_indices = #map1}]} {
    %mul3A = arith.constant 16 : i32
    %mul3A_0 = arith.muli %arg0, %mul3A : i32
    %add3A = arith.addi %mul3A_0, %arg1 : i32
    %dma_start3A = arith.constant 0 : i32
    %dma_start3A_1 = arith.constant 0 : i32
    %dma_start3A_2 = tpu.memref_slice %arg3[%add3A, %dma_start3A, %dma_start3A_1] : memref<32x40x128xi32, #tpu.memory_space<hbm>> -> memref<1x40x128xi32, #tpu.memory_space<hbm>>
    %dma_start3A_3 = tpu.memref_squeeze %dma_start3A_2 : memref<1x40x128xi32, #tpu.memory_space<hbm>> -> memref<40x128xi32, #tpu.memory_space<hbm>>
    %dma_start3A_4 = arith.constant 0 : i32
    %dma_start3A_5 = arith.constant 0 : i32
    %dma_start3A_6 = tpu.memref_slice %arg3[%add3A, %dma_start3A_4, %dma_start3A_5] : memref<32x40x128xi32, #tpu.memory_space<hbm>> -> memref<1x40x128xi32, #tpu.memory_space<hbm>>
    %dma_start3A_7 = tpu.memref_squeeze %dma_start3A_6 : memref<1x40x128xi32, #tpu.memory_space<hbm>> -> memref<40x128xi32, #tpu.memory_space<hbm>>
    tpu.enqueue_dma source(%dma_start3A_7 : memref<40x128xi32, #tpu.memory_space<hbm>>) target(%arg7 : memref<40x128xi32, #tpu.memory_space<vmem>>) target_semaphore(%arg13 : memref<!tpu.dma_semaphore, #tpu.memory_space<semaphore_mem>>)
    %dma_start3A_8 = arith.constant 0 : i32
    %dma_start3A_9 = arith.constant 0 : i32
    %dma_start3A_10 = tpu.memref_slice %arg4[%add3A, %dma_start3A_8, %dma_start3A_9] : memref<32x40x128xi32, #tpu.memory_space<hbm>> -> memref<1x40x128xi32, #tpu.memory_space<hbm>>
    %dma_start3A_11 = tpu.memref_squeeze %dma_start3A_10 : memref<1x40x128xi32, #tpu.memory_space<hbm>> -> memref<40x128xi32, #tpu.memory_space<hbm>>
    %dma_start3A_12 = arith.constant 0 : i32
    %dma_start3A_13 = arith.constant 0 : i32
    %dma_start3A_14 = tpu.memref_slice %arg4[%add3A, %dma_start3A_12, %dma_start3A_13] : memref<32x40x128xi32, #tpu.memory_space<hbm>> -> memref<1x40x128xi32, #tpu.memory_space<hbm>>
    %dma_start3A_15 = tpu.memref_squeeze %dma_start3A_14 : memref<1x40x128xi32, #tpu.memory_space<hbm>> -> memref<40x128xi32, #tpu.memory_space<hbm>>
    tpu.enqueue_dma source(%dma_start3A_15 : memref<40x128xi32, #tpu.memory_space<hbm>>) target(%arg8 : memref<40x128xi32, #tpu.memory_space<vmem>>) target_semaphore(%arg13 : memref<!tpu.dma_semaphore, #tpu.memory_space<semaphore_mem>>)
    %dma_start3A_16 = arith.constant 0 : i32
    %dma_start3A_17 = arith.constant 0 : i32
    %dma_start3A_18 = tpu.memref_slice %arg5[%add3A, %dma_start3A_16, %dma_start3A_17] : memref<32x40x128xf32, #tpu.memory_space<hbm>> -> memref<1x40x128xf32, #tpu.memory_space<hbm>>
    %dma_start3A_19 = tpu.memref_squeeze %dma_start3A_18 : memref<1x40x128xf32, #tpu.memory_space<hbm>> -> memref<40x128xf32, #tpu.memory_space<hbm>>
    %dma_start3A_20 = arith.constant 0 : i32
    %dma_start3A_21 = arith.constant 0 : i32
    %dma_start3A_22 = tpu.memref_slice %arg5[%add3A, %dma_start3A_20, %dma_start3A_21] : memref<32x40x128xf32, #tpu.memory_space<hbm>> -> memref<1x40x128xf32, #tpu.memory_space<hbm>>
    %dma_start3A_23 = tpu.memref_squeeze %dma_start3A_22 : memref<1x40x128xf32, #tpu.memory_space<hbm>> -> memref<40x128xf32, #tpu.memory_space<hbm>>
    tpu.enqueue_dma source(%dma_start3A_23 : memref<40x128xf32, #tpu.memory_space<hbm>>) target(%arg9 : memref<40x128xf32, #tpu.memory_space<vmem>>) target_semaphore(%arg13 : memref<!tpu.dma_semaphore, #tpu.memory_space<semaphore_mem>>)
    %broadcast_in_dim3A = arith.constant 0.000000e+00 : f32
    %broadcast_in_dim3A_24 = vector.broadcast %broadcast_in_dim3A : f32 to vector<16xf32>
    %scan3A = arith.constant 0 : i32
    %scan3A_25 = arith.constant 128 : i32
    %scan3A_26 = arith.addi %scan3A, %scan3A_25 : i32
    %scan3A_27 = arith.constant 1 : i32
    scf.for %scan3A_67 = %scan3A to %scan3A_26 step %scan3A_27  : i32 {
      %mul3A_68 = arith.constant 1 : i32
      %mul3A_69 = arith.muli %scan3A_67, %mul3A_68 : i32
      %add3A_70 = arith.constant 0 : i32
      %add3A_71 = arith.addi %add3A_70, %mul3A_69 : i32
      %swap3A = arith.index_cast %add3A_71 : i32 to index
      %swap3A_72 = arith.constant 0 : index
      %swap3A_73 = tpu.vector_load %arg10[%swap3A, %swap3A_72] {strides = array<i32>} : memref<128x128xf32, #tpu.memory_space<vmem>>, vector<16xf32>,
      tpu.vector_store %arg10[%swap3A, %swap3A_72], %broadcast_in_dim3A_24 {strides = array<i32>} : memref<128x128xf32, #tpu.memory_space<vmem>>, vector<16xf32>,
      %swap3A_74 = arith.index_cast %add3A_71 : i32 to index
      %swap3A_75 = arith.constant 16 : index
      %swap3A_76 = tpu.vector_load %arg10[%swap3A_74, %swap3A_75] {strides = array<i32>} : memref<128x128xf32, #tpu.memory_space<vmem>>, vector<16xf32>,
      tpu.vector_store %arg10[%swap3A_74, %swap3A_75], %broadcast_in_dim3A_24 {strides = array<i32>} : memref<128x128xf32, #tpu.memory_space<vmem>>, vector<16xf32>,
      %swap3A_77 = arith.index_cast %add3A_71 : i32 to index
      %swap3A_78 = arith.constant 32 : index
      %swap3A_79 = tpu.vector_load %arg10[%swap3A_77, %swap3A_78] {strides = array<i32>} : memref<128x128xf32, #tpu.memory_space<vmem>>, vector<16xf32>,
      tpu.vector_store %arg10[%swap3A_77, %swap3A_78], %broadcast_in_dim3A_24 {strides = array<i32>} : memref<128x128xf32, #tpu.memory_space<vmem>>, vector<16xf32>,
      %swap3A_80 = arith.index_cast %add3A_71 : i32 to index
      %swap3A_81 = arith.constant 48 : index
      %swap3A_82 = tpu.vector_load %arg10[%swap3A_80, %swap3A_81] {strides = array<i32>} : memref<128x128xf32, #tpu.memory_space<vmem>>, vector<16xf32>,
      tpu.vector_store %arg10[%swap3A_80, %swap3A_81], %broadcast_in_dim3A_24 {strides = array<i32>} : memref<128x128xf32, #tpu.memory_space<vmem>>, vector<16xf32>,
      %swap3A_83 = arith.index_cast %add3A_71 : i32 to index
      %swap3A_84 = arith.constant 64 : index
      %swap3A_85 = tpu.vector_load %arg10[%swap3A_83, %swap3A_84] {strides = array<i32>} : memref<128x128xf32, #tpu.memory_space<vmem>>, vector<16xf32>,
      tpu.vector_store %arg10[%swap3A_83, %swap3A_84], %broadcast_in_dim3A_24 {strides = array<i32>} : memref<128x128xf32, #tpu.memory_space<vmem>>, vector<16xf32>,
      %swap3A_86 = arith.index_cast %add3A_71 : i32 to index
      %swap3A_87 = arith.constant 80 : index
      %swap3A_88 = tpu.vector_load %arg10[%swap3A_86, %swap3A_87] {strides = array<i32>} : memref<128x128xf32, #tpu.memory_space<vmem>>, vector<16xf32>,
      tpu.vector_store %arg10[%swap3A_86, %swap3A_87], %broadcast_in_dim3A_24 {strides = array<i32>} : memref<128x128xf32, #tpu.memory_space<vmem>>, vector<16xf32>,
      %swap3A_89 = arith.index_cast %add3A_71 : i32 to index
      %swap3A_90 = arith.constant 96 : index
      %swap3A_91 = tpu.vector_load %arg10[%swap3A_89, %swap3A_90] {strides = array<i32>} : memref<128x128xf32, #tpu.memory_space<vmem>>, vector<16xf32>,
      tpu.vector_store %arg10[%swap3A_89, %swap3A_90], %broadcast_in_dim3A_24 {strides = array<i32>} : memref<128x128xf32, #tpu.memory_space<vmem>>, vector<16xf32>,
      %swap3A_92 = arith.index_cast %add3A_71 : i32 to index
      %swap3A_93 = arith.constant 112 : index
      %swap3A_94 = tpu.vector_load %arg10[%swap3A_92, %swap3A_93] {strides = array<i32>} : memref<128x128xf32, #tpu.memory_space<vmem>>, vector<16xf32>,
      tpu.vector_store %arg10[%swap3A_92, %swap3A_93], %broadcast_in_dim3A_24 {strides = array<i32>} : memref<128x128xf32, #tpu.memory_space<vmem>>, vector<16xf32>,
    }
    %scan3A_28 = arith.constant 128 : i32
    %scan3A_29 = arith.constant 0 : i32
    %scan3A_30 = arith.constant 5 : i32
    %scan3A_31 = arith.addi %scan3A_29, %scan3A_30 : i32
    %scan3A_32 = arith.constant 1 : i32
    scf.for %scan3A_67 = %scan3A_29 to %scan3A_31 step %scan3A_32  : i32 {
      %mul3A_68 = arith.constant 1 : i32
      %mul3A_69 = arith.muli %scan3A_67, %mul3A_68 : i32
      %add3A_70 = arith.constant 0 : i32
      %add3A_71 = arith.addi %add3A_70, %mul3A_69 : i32
      %mul3A_72 = arith.constant 640 : i32
      %mul3A_73 = arith.muli %arg1, %mul3A_72 : i32
      %mul3A_74 = arith.constant 128 : i32
      %mul3A_75 = arith.muli %add3A_71, %mul3A_74 : i32
      %add3A_76 = arith.addi %mul3A_73, %mul3A_75 : i32
      "tpu.region"() ({
        %run_scoped3A = tpu.sem_alloc : memref<!tpu.dma_semaphore, #tpu.memory_space<semaphore_mem>>
        %dma_start3A_77 = arith.constant 0 : i32
        %dma_start3A_78 = tpu.memref_slice %arg12[%add3A_76, %dma_start3A_77] : memref<10240x128xf32, #tpu.memory_space<vmem_shared>> -> memref<128x128xf32, #tpu.memory_space<vmem_shared>>
        %dma_start3A_79 = arith.constant 0 : i32
        %dma_start3A_80 = tpu.memref_slice %arg12[%add3A_76, %dma_start3A_79] : memref<10240x128xf32, #tpu.memory_space<vmem_shared>> -> memref<128x128xf32, #tpu.memory_space<vmem_shared>>
        tpu.enqueue_dma source(%arg10 : memref<128x128xf32, #tpu.memory_space<vmem>>) target(%dma_start3A_80 : memref<128x128xf32, #tpu.memory_space<vmem_shared>>) target_semaphore(%run_scoped3A : memref<!tpu.dma_semaphore, #tpu.memory_space<semaphore_mem>>)
        %dma_wait3A_81 = arith.constant 0 : i32
        %dma_wait3A_82 = tpu.memref_slice %arg12[%add3A_76, %dma_wait3A_81] : memref<10240x128xf32, #tpu.memory_space<vmem_shared>> -> memref<128x128xf32, #tpu.memory_space<vmem_shared>>
        %dma_wait3A_83 = arith.constant 0 : i32
        %dma_wait3A_84 = tpu.memref_slice %arg12[%add3A_76, %dma_wait3A_83] : memref<10240x128xf32, #tpu.memory_space<vmem_shared>> -> memref<128x128xf32, #tpu.memory_space<vmem_shared>>
        tpu.wait_dma2 semaphore(%run_scoped3A : memref<!tpu.dma_semaphore, #tpu.memory_space<semaphore_mem>>) src(%arg10 : memref<128x128xf32, #tpu.memory_space<vmem>>) dst(%dma_wait3A_84 : memref<128x128xf32, #tpu.memory_space<vmem_shared>>)
        tpu.yield
      }) : () -> ()
    }
    %scan3A_33 = arith.constant 5 : i32
    %dma_wait3A = arith.constant 0 : i32
    %dma_wait3A_34 = arith.constant 0 : i32
    %dma_wait3A_35 = tpu.memref_slice %arg3[%add3A, %dma_wait3A, %dma_wait3A_34] : memref<32x40x128xi32, #tpu.memory_space<hbm>> -> memref<1x40x128xi32, #tpu.memory_space<hbm>>
    %dma_wait3A_36 = tpu.memref_squeeze %dma_wait3A_35 : memref<1x40x128xi32, #tpu.memory_space<hbm>> -> memref<40x128xi32, #tpu.memory_space<hbm>>
    %dma_wait3A_37 = arith.constant 0 : i32
    %dma_wait3A_38 = arith.constant 0 : i32
    %dma_wait3A_39 = tpu.memref_slice %arg3[%add3A, %dma_wait3A_37, %dma_wait3A_38] : memref<32x40x128xi32, #tpu.memory_space<hbm>> -> memref<1x40x128xi32, #tpu.memory_space<hbm>>
    %dma_wait3A_40 = tpu.memref_squeeze %dma_wait3A_39 : memref<1x40x128xi32, #tpu.memory_space<hbm>> -> memref<40x128xi32, #tpu.memory_space<hbm>>
    tpu.wait_dma2 semaphore(%arg13 : memref<!tpu.dma_semaphore, #tpu.memory_space<semaphore_mem>>) src(%dma_wait3A_40 : memref<40x128xi32, #tpu.memory_space<hbm>>) dst(%arg7 : memref<40x128xi32, #tpu.memory_space<vmem>>)
    %dma_wait3A_41 = arith.constant 0 : i32
    %dma_wait3A_42 = arith.constant 0 : i32
    %dma_wait3A_43 = tpu.memref_slice %arg4[%add3A, %dma_wait3A_41, %dma_wait3A_42] : memref<32x40x128xi32, #tpu.memory_space<hbm>> -> memref<1x40x128xi32, #tpu.memory_space<hbm>>
    %dma_wait3A_44 = tpu.memref_squeeze %dma_wait3A_43 : memref<1x40x128xi32, #tpu.memory_space<hbm>> -> memref<40x128xi32, #tpu.memory_space<hbm>>
    %dma_wait3A_45 = arith.constant 0 : i32
    %dma_wait3A_46 = arith.constant 0 : i32
    %dma_wait3A_47 = tpu.memref_slice %arg4[%add3A, %dma_wait3A_45, %dma_wait3A_46] : memref<32x40x128xi32, #tpu.memory_space<hbm>> -> memref<1x40x128xi32, #tpu.memory_space<hbm>>
    %dma_wait3A_48 = tpu.memref_squeeze %dma_wait3A_47 : memref<1x40x128xi32, #tpu.memory_space<hbm>> -> memref<40x128xi32, #tpu.memory_space<hbm>>
    tpu.wait_dma2 semaphore(%arg13 : memref<!tpu.dma_semaphore, #tpu.memory_space<semaphore_mem>>) src(%dma_wait3A_48 : memref<40x128xi32, #tpu.memory_space<hbm>>) dst(%arg8 : memref<40x128xi32, #tpu.memory_space<vmem>>)
    %dma_wait3A_49 = arith.constant 0 : i32
    %dma_wait3A_50 = arith.constant 0 : i32
    %dma_wait3A_51 = tpu.memref_slice %arg5[%add3A, %dma_wait3A_49, %dma_wait3A_50] : memref<32x40x128xf32, #tpu.memory_space<hbm>> -> memref<1x40x128xf32, #tpu.memory_space<hbm>>
    %dma_wait3A_52 = tpu.memref_squeeze %dma_wait3A_51 : memref<1x40x128xf32, #tpu.memory_space<hbm>> -> memref<40x128xf32, #tpu.memory_space<hbm>>
    %dma_wait3A_53 = arith.constant 0 : i32
    %dma_wait3A_54 = arith.constant 0 : i32
    %dma_wait3A_55 = tpu.memref_slice %arg5[%add3A, %dma_wait3A_53, %dma_wait3A_54] : memref<32x40x128xf32, #tpu.memory_space<hbm>> -> memref<1x40x128xf32, #tpu.memory_space<hbm>>
    %dma_wait3A_56 = tpu.memref_squeeze %dma_wait3A_55 : memref<1x40x128xf32, #tpu.memory_space<hbm>> -> memref<40x128xf32, #tpu.memory_space<hbm>>
    tpu.wait_dma2 semaphore(%arg13 : memref<!tpu.dma_semaphore, #tpu.memory_space<semaphore_mem>>) src(%dma_wait3A_56 : memref<40x128xf32, #tpu.memory_space<hbm>>) dst(%arg9 : memref<40x128xf32, #tpu.memory_space<vmem>>)
    %barrier3A = arith.constant 0 : index
    tpu.barrier barrier_id(%barrier3A)
    %scan3A_57 = arith.constant 0 : i32
    %scan3A_58 = arith.constant 20 : i32
    %scan3A_59 = arith.addi %scan3A_57, %scan3A_58 : i32
    %scan3A_60 = arith.constant 1 : i32
    scf.for %scan3A_67 = %scan3A_57 to %scan3A_59 step %scan3A_60  : i32 {
      %mul3A_68 = arith.constant 1 : i32
      %mul3A_69 = arith.muli %scan3A_67, %mul3A_68 : i32
      %add3A_70 = arith.constant 0 : i32
      %add3A_71 = arith.addi %add3A_70, %mul3A_69 : i32
      %mul3A_72 = arith.constant 2 : i32
      %mul3A_73 = arith.muli %add3A_71, %mul3A_72 : i32
      %add3A_74 = arith.constant 2 : i32
      %add3A_75 = arith.addi %mul3A_73, %add3A_74 : i32
      %lt3A = arith.constant 40 : i32
      %lt3A_76 = arith.cmpi slt, %add3A_75, %lt3A : i32
      %convert_element_type3A = arith.extui %lt3A_76 : i1 to i32
      %cond3A = arith.constant 0 : i32
      %cond3A_77 = arith.cmpi ne, %convert_element_type3A, %cond3A : i32
      scf.if %cond3A_77 {
        %add3A_85 = arith.constant 2 : i32
        %add3A_86 = arith.addi %mul3A_73, %add3A_85 : i32
      } else {
      }
      %add3A_78 = arith.constant 3 : i32
      %add3A_79 = arith.addi %mul3A_73, %add3A_78 : i32
      %lt3A_80 = arith.constant 40 : i32
      %lt3A_81 = arith.cmpi slt, %add3A_79, %lt3A_80 : i32
      %convert_element_type3A_82 = arith.extui %lt3A_81 : i1 to i32
      %cond3A_83 = arith.constant 0 : i32
      %cond3A_84 = arith.cmpi ne, %convert_element_type3A_82, %cond3A_83 : i32
      scf.if %cond3A_84 {
        %add3A_85 = arith.constant 3 : i32
        %add3A_86 = arith.addi %mul3A_73, %add3A_85 : i32
      } else {
      }
    }
    %scan3A_61 = arith.constant 20 : i32
    %barrier3A_62 = arith.constant 0 : index
    tpu.barrier barrier_id(%barrier3A_62)
    %mul3A_63 = arith.constant 640 : i32
    %mul3A_64 = arith.muli %arg1, %mul3A_63 : i32
    %mul3A_65 = arith.constant 640 : i32
    %mul3A_66 = arith.muli %arg1, %mul3A_65 : i32
    "tpu.region"() ({
      %run_scoped3A = tpu.sem_alloc : memref<!tpu.dma_semaphore, #tpu.memory_space<semaphore_mem>>
      %dma_start3A_67 = arith.constant 0 : i32
      %dma_start3A_68 = tpu.memref_slice %arg6[%arg0, %mul3A_66, %dma_start3A_67] : memref<2x10240x128xf32, #tpu.memory_space<hbm>> -> memref<1x640x128xf32, #tpu.memory_space<hbm>>
      %dma_start3A_69 = tpu.memref_squeeze %dma_start3A_68 : memref<1x640x128xf32, #tpu.memory_space<hbm>> -> memref<640x128xf32, #tpu.memory_space<hbm>>
      %dma_start3A_70 = arith.constant 0 : i32
      %dma_start3A_71 = tpu.memref_slice %arg12[%mul3A_64, %dma_start3A_70] : memref<10240x128xf32, #tpu.memory_space<vmem_shared>> -> memref<640x128xf32, #tpu.memory_space<vmem_shared>>
      tpu.enqueue_dma source(%dma_start3A_71 : memref<640x128xf32, #tpu.memory_space<vmem_shared>>) target(%dma_start3A_69 : memref<640x128xf32, #tpu.memory_space<hbm>>) target_semaphore(%run_scoped3A : memref<!tpu.dma_semaphore, #tpu.memory_space<semaphore_mem>>)
      %dma_wait3A_72 = arith.constant 0 : i32
      %dma_wait3A_73 = tpu.memref_slice %arg6[%arg0, %mul3A_66, %dma_wait3A_72] : memref<2x10240x128xf32, #tpu.memory_space<hbm>> -> memref<1x640x128xf32, #tpu.memory_space<hbm>>
      %dma_wait3A_74 = tpu.memref_squeeze %dma_wait3A_73 : memref<1x640x128xf32, #tpu.memory_space<hbm>> -> memref<640x128xf32, #tpu.memory_space<hbm>>
      %dma_wait3A_75 = arith.constant 0 : i32
      %dma_wait3A_76 = tpu.memref_slice %arg12[%mul3A_64, %dma_wait3A_75] : memref<10240x128xf32, #tpu.memory_space<vmem_shared>> -> memref<640x128xf32, #tpu.memory_space<vmem_shared>>
      tpu.wait_dma2 semaphore(%run_scoped3A : memref<!tpu.dma_semaphore, #tpu.memory_space<semaphore_mem>>) src(%dma_wait3A_76 : memref<640x128xf32, #tpu.memory_space<vmem_shared>>) dst(%dma_wait3A_74 : memref<640x128xf32, #tpu.memory_space<hbm>>)
      tpu.yield
    }) : () -> ()
    return
  }
}

</mosaic_0001>

<sc_bundles>
// kernel: _spmm.3.cloned.1.call-start
scs
__scs_entry_jumppad:
0x0: {  	(pc) =	sbr.rel $0x88, $3  }
0x1: {  	(tag) =	ssettag $0x0;
	lr =	simm.s32 $0x1  }
0x2: {  	[smem:$0x3F9D] =	sst lr;
	_ =	strace $0xD0000000  }
0x3: {  	_ = 	snop  }
0x4: {  	_ = 	snop  }
0x5: {  	_ = 	snop  }
0x6: {  	_ = 	snop  }
0x7: {  	_ = 	snop  }
__scs_overlays_trampoline_lowered:
0x8: {  	[smem:$0x3FAC] =	sst s0  }
0x9: {  	[smem:$0x3FAD] =	sst s1  }
0xa: {  	[smem:$0x3FAE] =	sst s2  }
0xb: {  	[smem:$0x3FAF] =	sst s3  }
0xc: {  	[smem:$0x3FB0] =	sst s4  }
0xd: {  	[smem:$0x3FB1] =	sst s5  }
0xe: {  	[smem:$0x3FB2] =	sst s6  }
0xf: {  	[smem:$0x3FB3] =	sst s7  }
0x10: {  	[smem:$0x3FB4] =	sst s8  }
0x11: {  	[smem:$0x3FB5] =	sst s9;
	s0 =	simm.s32 @!p0 $0x0  }
0x12: {  	s1 =	sld [smem:$0x3F9B];
	s0 =	simm.s32 @p0 $0x1  }
0x13: {  	[smem:$0x3FB6] =	sst s0;
	s0 =	simm.s32 @!p1 $0x0  }
0x14: {  	s2 =	sld [smem:$0x3F9A];
	s0 =	simm.s32 @p1 $0x1  }
0x15: {  	[smem:$0x3FB7] =	sst s0;
	s0 =	simm.s32 @!p2 $0x0  }
0x16: {  	s3 =	sld [smem:$0x3FDB];
	s0 =	simm.s32 @p2 $0x1  }
0x17: {  	s4 =	simm.s32 $0x1BF5;
	[smem:$0x3FB9] =	sst s0  }
0x18: {  	s0 =	sld [smem:$0x3F9C];
	_ =	swait.ge [sflag:s4], $0x0  }
0x19: {  	s7 =	sld [smem:$0x3F9D]  }
0x1a: {  	s8 =	sadd.s32 $0xFFFFE003, lr  }
0x1b: {  	s9 =	sadd.s32 $0xFFFFFEF7, lr;
	s5 =	simm.s32 $0xFFFFFFFF;
	p2 =	slt.u32 s8, $0xFFFFF086  }
0x1c: {  	p1 =	slt.u32 s9, $0xF7A;
	s5 =	simm.s32 @!p2 $0x0  }
0x1d: {  	s5 =	simm.s32 @p1 $0x1;
	p0 =	seq.s32 s7, s2  }
0x1e: {  	s7 =	smul.u32 @!p0 $0xF7A, s2;
	p2 =	seq.s32 @!p0 s5, $0x0  }
0x1f: {  	s9 =	smul.u32 $0xF7A, s1;
	s8 =	simm.s32 @!p0 $0x1BF5;
	p2 =	por !p2, p0  }
0x20: {  	[sflag:s8] =	ssyncset.s32 @!p0 $0xFFFFF086;
	s6 =	sadd.s32 @!p0 s3, s7;
	s7 =	simm.s32 @!p0 $0x108  }
0x21: {  	s3 =	sadd.s32 s3, s9;
	s6 =	sadd.s32 @!p0 $0x88, s6;
	s7 =	simm.s32 @p2 $0x1082  }
0x22: {  	[simem:s7], [sflag:s8] =	dma.local @!p0 [hbm:s6], $0xF7A  }
0x23: {  	s9 =	sor.u32 $0xD0000000, s2;
	s6 =	simm.s32 $0x108;
	_ =	swait.ge @!p0 [sflag:s8], $0x0  }
0x24: {  	s3 =	sadd.s32 $0x88, s3;
	s6 =	simm.s32 @!p1 $0x1082;
	[sflag:s4] =	ssyncset.s32 $0xFFFFF086  }
0x25: {  	[simem:s6], [sflag:s4] =	dma.local [hbm:s3], $0xF7A  }
0x26: {  	[smem:$0x3F9D] =	sst s1;
	(tag) =	ssettag s2;
	_ =	strace s9  }
0x27: {  	s1 =	sld [smem:$0x3FAD]  }
0x28: {  	s2 =	sld [smem:$0x3FAE]  }
0x29: {  	s4 =	sld [smem:$0x3FB0]  }
0x2a: {  	p0 =	seq.s32 s5, $0x0;
	s5 =	sld [smem:$0x3FB1]  }
0x2b: {  	s6 =	sld [smem:$0x3FB2]  }
0x2c: {  	s7 =	sld [smem:$0x3FB3]  }
0x2d: {  	s3 =	simm.s32 $0x108;
	s8 =	sld [smem:$0x3FB4]  }
0x2e: {  	s3 =	simm.s32 @!p0 $0x1082;
	s9 =	sld [smem:$0x3FB5]  }
0x2f: {  	lr =	sadd.s32 s0, s3;
	s0 =	sld [smem:$0x3FAC]  }
0x30: {  	s3 =	sld [smem:$0x3FAF]  }
0x31: {  	[smem:$0x3FB8] =	sst s10  }
0x32: {  	s10 =	sld [smem:$0x3FB6];
	_ =	sdelay $0x3  }
0x33: {  	p0 =	seq.s32 s10, $0x1;
	s10 =	sld [smem:$0x3FB8];
	_ =	sdelay $0x3  }
0x34: {  	[smem:$0x3FB8] =	sst s10  }
0x35: {  	s10 =	sld [smem:$0x3FB7];
	_ =	sdelay $0x3  }
0x36: {  	p1 =	seq.s32 s10, $0x1;
	s10 =	sld [smem:$0x3FB8];
	_ =	sdelay $0x3  }
0x37: {  	[smem:$0x3FB8] =	sst s10  }
0x38: {  	s10 =	sld [smem:$0x3FB9]  }
0x39: {  	_ = 	snop;
	(pc) =	sbr.ind lr, $3  }
0x3a: {  	_ = 	snop  }
0x3b: {  	_ = 	snop  }
0x3c: {  	p2 =	seq.s32 s10, $0x1;
	s10 =	sld [smem:$0x3FB8]  }
0x3d: {  	_ =	shalt  }
0x3e: {  	_ =	shalt  }
0x3f: {  	_ =	shalt  }
0x40: {  	_ =	shalt  }
0x41: {  	_ =	shalt  }
0x42: {  	_ =	shalt  }
0x43: {  	_ =	shalt  }
0x44: {  	_ =	shalt  }
0x45: {  	_ =	shalt  }
0x46: {  	_ =	shalt  }
0x47: {  	_ =	shalt  }
0x48: {  	_ =	shalt  }
0x49: {  	_ =	shalt  }
0x4a: {  	_ =	shalt  }
0x4b: {  	_ =	shalt  }
0x4c: {  	_ =	shalt  }
0x4d: {  	_ =	shalt  }
0x4e: {  	_ =	shalt  }
0x4f: {  	_ =	shalt  }
0x50: {  	_ =	shalt  }
0x51: {  	_ =	shalt  }
0x52: {  	_ =	shalt  }
0x53: {  	_ =	shalt  }
0x54: {  	_ =	shalt  }
0x55: {  	_ =	shalt  }
0x56: {  	_ =	shalt  }
0x57: {  	_ =	shalt  }
0x58: {  	_ =	shalt  }
0x59: {  	_ =	shalt  }
0x5a: {  	_ =	shalt  }
0x5b: {  	_ =	shalt  }
0x5c: {  	_ =	shalt  }
0x5d: {  	_ =	shalt  }
0x5e: {  	_ =	shalt  }
0x5f: {  	_ =	shalt  }
0x60: {  	_ =	shalt  }
0x61: {  	_ =	shalt  }
0x62: {  	_ =	shalt  }
0x63: {  	_ =	shalt  }
0x64: {  	_ =	shalt  }
0x65: {  	_ =	shalt  }
0x66: {  	_ =	shalt  }
0x67: {  	_ =	shalt  }
0x68: {  	_ =	shalt  }
0x69: {  	_ =	shalt  }
0x6a: {  	_ =	shalt  }
0x6b: {  	_ =	shalt  }
0x6c: {  	_ =	shalt  }
0x6d: {  	_ =	shalt  }
0x6e: {  	_ =	shalt  }
0x6f: {  	_ =	shalt  }
0x70: {  	_ =	shalt  }
0x71: {  	_ =	shalt  }
0x72: {  	_ =	shalt  }
0x73: {  	_ =	shalt  }
0x74: {  	_ =	shalt  }
0x75: {  	_ =	shalt  }
0x76: {  	_ =	shalt  }
0x77: {  	_ =	shalt  }
0x78: {  	_ =	shalt  }
0x79: {  	_ =	shalt  }
0x7a: {  	_ =	shalt  }
0x7b: {  	_ =	shalt  }
0x7c: {  	_ =	shalt  }
0x7d: {  	_ =	shalt  }
0x7e: {  	_ =	shalt  }
0x7f: {  	_ =	shalt  }
0x80: {  	_ =	shalt  }
0x81: {  	_ =	shalt  }
0x82: {  	_ =	shalt  }
0x83: {  	_ =	shalt  }
0x84: {  	_ =	shalt  }
0x85: {  	_ =	shalt  }
0x86: {  	_ =	shalt  }
0x87: {  	_ =	shalt  }
.Lfunc_end0:
.L_simem_size_0:
called_computation_lowered:
.L_overlay_start_0:
0x88: {  	s2 =	sld [smem:$0x3FD9]  }
0x89: {  	s3 =	sld [smem:$0x3FFE];
	_ =	sdelay $0x1  }
0x8a: {  	s1 =	srdreg.scid  }
0x8b: {  	s0 =	sand.u32 $0x1, s1  }
0x8c: {  	s18 =	sshll.u32 s0, $0xA;
	s2 =	sadd.s32 s3, s2  }
0x8d: {  	s2 =	sadd.s32 s2, s18  }
0x8e: {  	[smem:$0x3FC4] =	sst s2  }
0x8f: {  	_ = 	snop  }
0x90: {  	s2 =	sld [smem:$0x3FC8]  }
0x91: {  	s19 =	sld [smem:$0x3FC7]  }
0x92: {  	s4 =	sld [smem:$0x3FC6]  }
0x93: {  	s5 =	sld [smem:$0x3FD0];
	(tm) =	ssettm $0x1  }
0x94: {  	s6 =	sld [smem:$0x3FFB];
	_ =	sdelay $0x3  }
0x95: {  	_ =	strace s6  }
0x96: {  	s6 =	sld [smem:$0x3FFC];
	_ =	sdelay $0x3  }
0x97: {  	_ =	strace s6  }
0x98: {  	s6 =	sld [smem:$0x3FFD];
	_ =	sdelay $0x3  }
0x99: {  	_ =	strace s6  }
0x9a: {  	_ =	strace $0x8FFFFFFF  }
0x9b: {  	s20 =	sld [smem:$0x3FDB];
	_ =	sdelay $0x1  }
0x9c: {  	s7 =	simm.s32 $_scs_section_size  }
0x9d: {  	s8 =	simm.s32 $_size__tile_overlayer_lowered;
	s9 =	simm.s32 $_tile_overlayer_lowered  }
0x9e: {  	s23 =	simm.s32 $0x1BFF;
	s22 =	sshll.u32 s9, $0x1;
	s6 =	sadd.s32 s7, s20  }
0x9f: {  	s10 =	simm.s32 $0x0;
	s21 =	sshll.u32 s8, $0x1;
	s8 =	sadd.s32 s22, s6  }
0xa0: {  	[timem:s10], [sflag:s23] =	dma.local [hbm:s8], s21  }
0xa1: {  	_ =	swait.ge [sflag:s23], s21  }
0xa2: {  	s7 =	ssub.s32 $0x0, s21;
	[sflag:s23] =	ssyncset.done $0x0  }
0xa3: {  	[sflag:s23] =	ssyncadd.s32 s7;
	_ =	sdelay $0x1  }
0xa4: {  	s24 =	simm.s32 $0x1B8B  }
0xa5: {  	_ =	swait.ge [sflag:s24], $0x1  }
0xa6: {  	[sflag:s24] =	ssyncset.done $0x0  }
0xa7: {  	s25 =	simm.s32 $0x1B8E;
	[sflag:s24] =	ssyncadd.s32 $0xFFFFFFFF  }
0xa8: {  	s26 =	simm.s32 $execute0_lowered;
	[smem:$0x3FD2] =	sst s25  }
0xa9: {  	s7 =	sshll.u32 s26, $0x1;
	_ =	strace $0x80000046;
	[dreg:$0x1] =	wrdreg $0xFFFFFFFF  }
0xaa: {  	s28 =	simm.s32 $_size_execute0_lowered;
	s6 =	sadd.s32 s6, s7;
	[dreg:$0x0] =	wrdreg $0x0  }
0xab: {  	s7 =	sshll.u32 s28, $0x1;
	[dreg:$0x2] =	wrdreg s6  }
0xac: {  	[dreg:$0x3] =	wrdreg s7  }
0xad: {  	[dreg:$0x4] =	wrdreg $0xC0  }
0xae: {  	_ =	task [dreg:s10], $0x5FFFF  }
0xaf: {  	[dreg:$0x1] =	wrdreg $0xFFFFFFFF  }
0xb0: {  	[dreg:$0x0] =	wrdreg $0x60  }
0xb1: {  	[dreg:$0x2] =	wrdreg s2  }
0xb2: {  	[dreg:$0x3] =	wrdreg s19  }
0xb3: {  	[dreg:$0x4] =	wrdreg s4  }
0xb4: {  	[dreg:$0x5] =	wrdreg s5  }
0xb5: {  	[dreg:$0x6] =	wrdreg $0x7C000  }
0xb6: {  	[dreg:$0x7] =	wrdreg $0x9  }
0xb7: {  	_ =	task.clear_ibuf [dreg:s10], $0x8FFFF;
	_ =	strace $0x90000046  }
0xb8: {  	s29 =	simm.s32 $0x9;
	_ =	strace $0x80000048  }
0xb9: {  	_ =	swait.ge [sflag:s29], $0x1  }
0xba: {  	[sflag:s29] =	ssyncadd.s32 $0xFFFFFFFF  }
0xbb: {  	_ =	strace $0x90000048  }
0xbc: {  	_ =	sfence  }
0xbd: {  	s30 =	sld [smem:$0x0];
	_ =	sdelay $0x2  }
0xbe: {  	s31 =	sshll.u32 s1, $0xD;
	s1 =	sshrl.u32 s1, $0x2  }
0xbf: {  	s3 =	sand.u32 $0x4000, s31;
	s1 =	sadd.s32 s1, s30  }
0xc0: {  	s0 =	sor.u32 s3, s0;
	s1 =	sshll.u32 s1, $0x11  }
0xc1: {  	s0 =	sor.u32 s1, s0  }
0xc2: {  	s0 =	sadd.s32 $0x8F2B, s0  }
0xc3: {  	[sflag:s0] =	ssyncadd.remote.s32 $0x1  }
0xc4: {  	_ =	sfence.sel $0xFFFF  }
0xc5: {  	[dreg:$0x0] =	wrdreg $0xFFFFFFFF;
	(pc) =	sbr.abs _section_cstart, $3  }
0xc6: {  	[dreg:$0x1] =	wrdreg $0xFFFFFFFF  }
0xc7: {  	_ =	task.clear_ibuf [dreg:s10], $0x2FFFF;
	_ =	strace $0x9FFFFFFF  }
0xc8: {  	(tm) =	ssettm $0x7FFFFFFF  }
0xc9: {  	_ =	shalt  }
tec
execute0_lowered:
.L_overlay_start_1:
0x0: {  	(tag) =	ssettag $0x1  }
0x1: {  	s3 =	rddreg [dreg:$0x0]  }
0x2: {  	s4 =	rddreg [dreg:$0x1]  }
0x3: {  	s6 =	rddreg [dreg:$0x2]  }
0x4: {  	s7 =	rddreg [dreg:$0x3]  }
0x5: {  	s0 =	srdreg.scid;
	s8 =	rddreg [dreg:$0x4];
	s2 =	simm.s32 $0x0  }
0x6: {  	s14 =	simm.s32 $0x2800;
	s15 =	simm.s32 $0x3C00;
	s16 =	simm.s32 $0x2  }
0x7: {  	s17 =	simm.s32 $0x1;
	s5 =	sand.u32 $0x1, s0;
	s0 =	stileid.u32  }
0x8: {  	s20 =	simm.s32 $0x0;
	[smem:$0x7FF] =	sst s2;
	s10 =	smul.u32 $0x50000, s0  }
0x9: {  	s1 =	sshll.u32 s5, $0x4;
	s11 =	ssub.s32 $0x2, s5;
	s5 =	smul.u32 $0x140000, s5  }
0xa: {  	s13 =	smul.u32 $0x14000, s0;
	s18 =	sshll.u32 s0, $0x6;
	s1 =	sor.u32 s0, s1  }
0xb: {  	s12 =	sshrl.u32 s11, $0x1;
	s18 =	sor.u32 $0x1C02, s18;
	s9 =	smul.u32 $0x280, s1  }
0xc: {  	s1 =	rddreg [dreg:$0x5];
	_ =	strace $0x80000047;
	s11 =	ssub.s32 s11, s12  }
0xd: {  	s10 =	sshrl.u32 s10, $0x2;
	s30 =	sadd.s32 s13, s5;
	s13 =	simm.s32 $0x1400  }
0xe: {  	s31 =	sshrl.u32 s30, $0x3;
	s3 =	sadd.s32 s3, s9;
	s4 =	sadd.s32 s4, s9  }
0xf: {  	s5 =	sadd.s32 s6, s9;
	s6 =	sadd.s32 s10, s8;
	s7 =	sadd.s32 s7, s31  }
0x10: {  	s8 =	smax.u32 s11, $0x1;
	s9 =	sadd.s32 $0x4000, s6;
	s10 =	sadd.s32 $0x8000, s6  }
0x11: {  	v0 =	vimm.f32 $0.0e+00;
	s11 =	sadd.s32 $0xC000, s6;
	s12 =	sadd.s32 $0x10000, s6;
	s19 =	sshrl.u32 s6, $0x3  }
.LBB2_1:
0x12: {  	[tilespmem:s2], [sflag:$0x1] =	stream.linear.gather [hbm4b:s3+s2], $0x1400, $0x38;
	[tilespmem:$0x1BC00] =	vst v63  }
0x13: {  	_ = 	snop  }
0x14: {  	[tilespmem:s13], [sflag:$0x1] =	stream.linear.gather [hbm4b:s4+s2], $0x1400, $0x38;
	[tilespmem:$0x1BC00] =	vst v63  }
0x15: {  	s21 =	simm.s32 $0x0;
	s22 =	simm.s32 $0x200  }
0x16: {  	[tilespmem:s14], [sflag:$0x1] =	stream.linear.gather [hbm4b:s5+s2], $0x1400, $0x38;
	[tilespmem:$0x1BC00] =	vst v63  }
.LBB2_2:
0x17: {  	p0 =	sne.s32 s22, $0xFE00;
	[tilespmem:s21+$0x3C70] =	vst v0  }
0x18: {  	[tilespmem:s21+$0x3C00] =	vst v0  }
0x19: {  	[tilespmem:s21+$0x3C10] =	vst v0  }
.Ltmp0:
0x1a: {  	[tilespmem:s21+$0x3C20] =	vst v0;
	(pc) =	sbr.rel @p0 .LBB2_2-.Ltmp0, $4  }
0x1b: {  	[tilespmem:s21+$0x3C30] =	vst v0  }
0x1c: {  	[tilespmem:s21+$0x3C40] =	vst v0  }
0x1d: {  	[tilespmem:s21+$0x3C50] =	vst v0  }
0x1e: {  	[tilespmem:s21+$0x3C60] =	vst v0;
	s21 =	sshra.s32 s22, $0x2;
	s22 =	sadd.s32 $0x200, s22  }
0x1f: {  	[tilespmem:s21+$0x3C70] =	vst v0  }
0x20: {  	[tilespmem:s21+$0x3C00] =	vst v0  }
0x21: {  	[tilespmem:s21+$0x3C10] =	vst v0  }
0x22: {  	[tilespmem:s21+$0x3C20] =	vst v0  }
0x23: {  	[tilespmem:s21+$0x3C30] =	vst v0  }
0x24: {  	[tilespmem:s21+$0x3C40] =	vst v0  }
0x25: {  	[tilespmem:s21+$0x3C50] =	vst v0  }
0x26: {  	[tilespmem:s21+$0x3C60] =	vst v0  }
0x27: {  	[spmem:s6] =	stream.linear.scatter [tilespmem:s15], [sflag:$0x2], $0x4000, $0x38;
	[tilespmem:$0x1BC00] =	vst v63  }
0x28: {  	_ =	swait.ge [sflag:s16], $0x4000  }
0x29: {  	[sflag:s16] =	ssyncset.done $0x0  }
0x2a: {  	[sflag:s16] =	ssyncadd.s32 $0xFFFFC000  }
0x2b: {  	[spmem:s9] =	stream.linear.scatter [tilespmem:s15], [sflag:$0x2], $0x4000, $0x38;
	[tilespmem:$0x1BC00] =	vst v63  }
0x2c: {  	_ =	swait.ge [sflag:s16], $0x4000  }
0x2d: {  	[sflag:s16] =	ssyncset.done $0x0  }
0x2e: {  	[sflag:s16] =	ssyncadd.s32 $0xFFFFC000  }
0x2f: {  	[spmem:s10] =	stream.linear.scatter [tilespmem:s15], [sflag:$0x2], $0x4000, $0x38;
	[tilespmem:$0x1BC00] =	vst v63  }
0x30: {  	_ =	swait.ge [sflag:s16], $0x4000  }
0x31: {  	[sflag:s16] =	ssyncset.done $0x0  }
0x32: {  	[sflag:s16] =	ssyncadd.s32 $0xFFFFC000  }
0x33: {  	[spmem:s11] =	stream.linear.scatter [tilespmem:s15], [sflag:$0x2], $0x4000, $0x38;
	[tilespmem:$0x1BC00] =	vst v63  }
0x34: {  	_ =	swait.ge [sflag:s16], $0x4000  }
0x35: {  	[sflag:s16] =	ssyncset.done $0x0  }
0x36: {  	[sflag:s16] =	ssyncadd.s32 $0xFFFFC000  }
0x37: {  	[spmem:s12] =	stream.linear.scatter [tilespmem:s15], [sflag:$0x2], $0x4000, $0x38;
	[tilespmem:$0x1BC00] =	vst v63  }
0x38: {  	_ =	swait.ge [sflag:s16], $0x4000  }
0x39: {  	[sflag:s16] =	ssyncset.done $0x0  }
0x3a: {  	[sflag:s16] =	ssyncadd.s32 $0xFFFFC000  }
0x3b: {  	_ =	swait.ge [sflag:s17], $0x1400  }
0x3c: {  	[sflag:s17] =	ssyncset.done $0x0  }
0x3d: {  	[sflag:s17] =	ssyncadd.s32 $0xFFFFEC00  }
0x3e: {  	_ =	swait.ge [sflag:s17], $0x1400  }
0x3f: {  	[sflag:s17] =	ssyncset.done $0x0  }
0x40: {  	[sflag:s17] =	ssyncadd.s32 $0xFFFFEC00  }
0x41: {  	_ =	swait.ge [sflag:s17], $0x1400  }
0x42: {  	[sflag:s17] =	ssyncset.done $0x0  }
0x43: {  	s20 =	sadd.s32 $0x1, s20;
	[sflag:s17] =	ssyncadd.s32 $0xFFFFEC00  }
0x44: {  	p0 =	sne.s32 s20, s8;
	[bflag:$0x0] =	sbarrier.arrive $0xFFFF  }
.Ltmp1:
0x45: {  	[bflag:$0x0] =	sbarrier.arrive $0xFFFF;
	(pc) =	sbr.rel @p0 .LBB2_1-.Ltmp1, $4  }
0x46: {  	[hbm:s7], [sflag:s18] =	dma.local [spmem:s19], $0x2800  }
0x47: {  	_ =	swait.ge [sflag:s16], $0x2800  }
0x48: {  	[sflag:s16] =	ssyncset.done $0x0  }
0x49: {  	[sflag:s16] =	ssyncadd.s32 $0xFFFFD800  }
0x4a: {  	_ =	sfence.sel $0x180000  }
0x4b: {  	[bflag:$0x0] =	sbarrier.arrive $0xFFFF  }
0x4c: {  	p0 =	sne.s32 s0, $0x0;
	_ =	strace $0x90000047  }
0x4d: {  	s0 =	sadd.s32 @!p0 $0x100000, s1;
	[bflag:$0x2] =	sbarrier.arrive $0xFFFF  }
0x4e: {  	[sflag:s0] =	ssyncadd.tile.s32 @!p0 $0x1;
	_ =	shalt  }
.Lfunc_end2:
_tile_overlayer_lowered:
.L_overlay_start_2:
0x4f: {  	(tag) =	ssettag $0x2  }
0x50: {  	s0 =	rddreg [dreg:$0x0];
	s2 =	stileid.u32  }
0x51: {  	s1 =	rddreg [dreg:$0x1];
	p0 =	sne.s32 s2, $0x0  }
0x52: {  	s3 =	rddreg [dreg:$0x2];
	[bflag:$0x3] =	sbarrier.arrive $0xFFFF;
	s2 =	simm.s32 @!p0 $0x1C02  }
0x53: {  	[timem:s3], [sflag:s2] =	dma.local @!p0 [hbm:s0], s1  }
0x54: {  	s0 =	simm.s32 @!p0 $0x2  }
0x55: {  	_ =	swait.ge @!p0 [sflag:s0], s1  }
0x56: {  	s1 =	ssub.s32 @!p0 $0x0, s1;
	[sflag:s0] =	ssyncset.done @!p0 $0x0  }
0x57: {  	[sflag:s0] =	ssyncadd.s32 @!p0 s1  }
0x58: {  	[bflag:$0x3] =	sbarrier.arrive $0xFFFF  }
0x59: {  	_ =	shalt  }

</sc_bundles>
